<compile_context>
chip_gen: v7x
topology: tpu7x:2x2x1
jax: 0.10.2.dev20260603
libtpu: 0.0.44.dev20260713+nightly
codegen_flags: <defaults>
</compile_context>

<pallas_src>
import functools

import jax
import jax.numpy as jnp
from jax.experimental import pallas as pl
from jax.experimental.pallas import tpu as pltpu

B, S, H = 1, 2048, 768
E, K, INTER = 8, 2, 768
ALPHA, LIMIT = 1.702, 7.0

T = B * S
TT2 = 256
G2 = T * K // TT2 + E
P = G2 * TT2


def _router_kernel(x_ref, rw_ref, rb_ref, scores_ref, idx_ref, w_ref):
    x = x_ref[...]
    logits = jax.lax.dot_general(
        x.astype(jnp.bfloat16), rw_ref[...].astype(jnp.bfloat16),
        (((1,), (1,)), ((), ())),
        preferred_element_type=jnp.float32)
    logits = logits + rb_ref[...]
    n = logits.shape[0]
    idx = jax.lax.broadcasted_iota(jnp.int32, (n, E), 1)
    m1 = jnp.max(logits, axis=1, keepdims=True)
    i1 = jnp.min(jnp.where(logits == m1, idx, E), axis=1, keepdims=True)
    sel1 = idx == i1
    masked = jnp.where(sel1, -jnp.inf, logits)
    m2 = jnp.max(masked, axis=1, keepdims=True)
    i2 = jnp.min(jnp.where(masked == m2, idx, E), axis=1, keepdims=True)
    sel2 = idx == i2
    e2 = jnp.exp(m2 - m1)
    denom = 1.0 + e2
    p1 = 1.0 / denom
    p2 = e2 / denom
    scores_ref[...] = jnp.where(sel1, p1, 0.0) + jnp.where(sel2, p2, 0.0)
    idx_ref[...] = jnp.concatenate([i1, i2], axis=1)
    w_ref[...] = jnp.concatenate([p1, p2], axis=1)


def _gmm_kernel(te_ref, xs_ref, gup_ref, gub_ref, dp_ref, db_ref, w_ref,
                dd_ref, gupb_s, dp2_s):
    i = pl.program_id(0)
    te = te_ref[i]
    te_prev = te_ref[jnp.maximum(i - 1, 0)]
    fresh = jnp.logical_or(i == 0, te != te_prev)

    @pl.when(jnp.logical_and(te >= 0, fresh))
    def _load_weights():
        gupb_s[...] = gup_ref[0].astype(jnp.bfloat16)
        dpv = dp_ref[0].astype(jnp.bfloat16)
        dp2_s[...] = jnp.concatenate(
            [dpv[:, None, :], jnp.zeros_like(dpv)[:, None, :]],
            axis=1).reshape(2 * INTER, H)

    @pl.when(te >= 0)
    def _compute():
        xb = xs_ref[...].astype(jnp.bfloat16)
        gu = jnp.dot(xb, gupb_s[...],
                     preferred_element_type=jnp.float32) + gub_ref[0]
        gu_up = pltpu.roll(gu, 2 * INTER - 1, 1)
        gate = jnp.minimum(gu, LIMIT)
        up = jnp.clip(gu_up, -LIMIT, LIMIT)
        glu = gate * jax.nn.sigmoid(gate * ALPHA)
        act = (up + 1.0) * glu
        lane = jax.lax.broadcasted_iota(jnp.int32, (TT2, 2 * INTER), 1)
        act = jnp.where(lane % 2 == 0, act, 0.0)
        mm = jnp.dot(act.astype(jnp.bfloat16), dp2_s[...],
                     preferred_element_type=jnp.float32) + db_ref[0]
        dd_ref[...] = mm * w_ref[...]

    @pl.when(te < 0)
    def _pad():
        dd_ref[...] = jnp.zeros((TT2, H), jnp.float32)


@functools.partial(jax.jit, static_argnames=())
def kernel(hidden_states, router_weight, router_bias, gate_up_proj,
           gate_up_proj_bias, down_proj, down_proj_bias):
    b, s, h = hidden_states.shape
    x = hidden_states.reshape(T, h)
    rb = router_bias.reshape(1, E)
    gub = gate_up_proj_bias.reshape(E, 1, 2 * INTER)
    db = down_proj_bias.reshape(E, 1, H)

    scores, topk_idx, topk_w = pl.pallas_call(
        _router_kernel,
        grid=(1,),
        in_specs=[
            pl.BlockSpec((T, H), lambda i: (0, 0)),
            pl.BlockSpec((E, H), lambda i: (0, 0)),
            pl.BlockSpec((1, E), lambda i: (0, 0)),
        ],
        out_specs=[
            pl.BlockSpec((T, E), lambda i: (0, 0)),
            pl.BlockSpec((T, K), lambda i: (0, 0)),
            pl.BlockSpec((T, K), lambda i: (0, 0)),
        ],
        out_shape=[
            jax.ShapeDtypeStruct((T, E), jnp.float32),
            jax.ShapeDtypeStruct((T, K), jnp.int32),
            jax.ShapeDtypeStruct((T, K), jnp.float32),
        ],
    )(x, router_weight, rb)

    flat_e = topk_idx.reshape(-1)
    flat_w = topk_w.reshape(-1)
    n = T * K
    oh = (flat_e[:, None] == jnp.arange(E)[None, :]).astype(jnp.int32)
    ranks = jnp.cumsum(oh, axis=0) - oh
    counts = jnp.sum(oh, axis=0)
    gt = (counts + TT2 - 1) // TT2
    pstart = jnp.concatenate(
        [jnp.zeros(1, jnp.int32),
         jnp.cumsum(gt * TT2)])[:E].astype(jnp.int32)
    rank = jnp.take_along_axis(ranks, flat_e[:, None], axis=1)[:, 0]
    dest = pstart[flat_e] + rank
    tok = (jnp.arange(n, dtype=jnp.int32) // K)
    row_token = jnp.zeros(P, jnp.int32).at[dest].set(tok)
    row_w = jnp.zeros(P, jnp.float32).at[dest].set(flat_w)
    pos = dest.reshape(T, K)
    tile_starts = pstart // TT2
    ti = jnp.arange(G2, dtype=jnp.int32)
    in_e = (ti[:, None] >= tile_starts[None, :]) & (
        ti[:, None] < (tile_starts + gt)[None, :])
    tile_expert = jnp.where(
        in_e.any(axis=1), jnp.argmax(in_e, axis=1), -1).astype(jnp.int32)

    x_sorted = jnp.take(x, row_token, axis=0)

    dd = pl.pallas_call(
        _gmm_kernel,
        grid_spec=pltpu.PrefetchScalarGridSpec(
            num_scalar_prefetch=1,
            grid=(G2,),
            in_specs=[
                pl.BlockSpec((TT2, H), lambda i, te: (i, 0)),
                pl.BlockSpec((1, H, 2 * INTER),
                             lambda i, te: (jnp.maximum(te[i], 0), 0, 0)),
                pl.BlockSpec((1, 1, 2 * INTER),
                             lambda i, te: (jnp.maximum(te[i], 0), 0, 0)),
                pl.BlockSpec((1, INTER, H),
                             lambda i, te: (jnp.maximum(te[i], 0), 0, 0)),
                pl.BlockSpec((1, 1, H),
                             lambda i, te: (jnp.maximum(te[i], 0), 0, 0)),
                pl.BlockSpec((TT2, 1), lambda i, te: (i, 0)),
            ],
            out_specs=pl.BlockSpec((TT2, H), lambda i, te: (i, 0)),
            scratch_shapes=[
                pltpu.VMEM((H, 2 * INTER), jnp.bfloat16),
                pltpu.VMEM((2 * INTER, H), jnp.bfloat16),
            ],
        ),
        out_shape=jax.ShapeDtypeStruct((P, H), jnp.float32),
        compiler_params=pltpu.CompilerParams(
            dimension_semantics=("arbitrary",),
        ),
    )(tile_expert, x_sorted, gate_up_proj, gub, down_proj, db,
      row_w.reshape(P, 1))

    out = dd[:T]
    return out.reshape(b, s, h), scores

# --- scband reference (transcript-rebuilt; emitter-appended) ---
"""Pipeline reference for scband-sparse-mlp-35983236006082 (READ-ONLY COPY).

The authoritative reference and input builder live on the scoring server;
editing this copy changes nothing except your own understanding.
"""

import jax, jax.numpy as jnp
import numpy as np

B, S, H = 1, 2048, 768
E, K, INTER = 8, 2, 768
ALPHA, LIMIT = 1.702, 7.0


def setup_inputs(seed: int = 0) -> dict:
    key = jax.random.key(seed)
    ks = jax.random.split(key, 6)
    return {
        "hidden_states": jax.random.normal(ks[0], (B, S, H), dtype=jnp.float32),
        "router_weight": jax.random.normal(ks[1], (E, H), dtype=jnp.float32) * 0.02,
        "router_bias": jnp.zeros((E,), dtype=jnp.float32),
        "gate_up_proj": jax.random.normal(ks[2], (E, H, 2 * INTER), dtype=jnp.float32) * 0.02,
        "gate_up_proj_bias": jnp.zeros((E, 2 * INTER), dtype=jnp.float32),
        "down_proj": jax.random.normal(ks[3], (E, INTER, H), dtype=jnp.float32) * 0.02,
        "down_proj_bias": jnp.zeros((E, H), dtype=jnp.float32),
    }


def reference(hidden_states, router_weight, router_bias, gate_up_proj, gate_up_proj_bias, down_proj, down_proj_bias):
    b, s, h = hidden_states.shape
    T = b * s
    x = hidden_states.reshape(T, h)
    # --- router: linear -> top-k -> softmax over top-k -> scatter to dense scores ---
    logits = x @ router_weight.T + router_bias  # [T, E]
    topk_vals, topk_idx = jax.lax.top_k(logits, K)  # [T, K]
    topk_sm = jax.nn.softmax(topk_vals, axis=-1)  # [T, K]
    rows = jnp.arange(T)[:, None]
    router_scores = jnp.zeros((T, E), dtype=x.dtype).at[rows, topk_idx].set(topk_sm)  # [T, E]
    # sparsity mask (1.0 for active experts per token), mirrors scatter_ of ones
    sparsity = jnp.zeros((T, E), dtype=x.dtype).at[rows, topk_idx].set(1.0)  # [T, E]
    # --- gate_up sparse matmul (dense math, masked like tt.sparse_matmul output) ---
    gate_up_out = jnp.einsum("th,ehf->tef", x, gate_up_proj)  # [T, E, 2*INTER]
    gate_up_out = gate_up_out * sparsity[:, :, None]
    gate_up_out = gate_up_out + gate_up_proj_bias[None, :, :]
    # --- gpt_oss activation with INTERLEAVED gate/up layout ---
    gate_out = gate_up_out[..., ::2]
    up_out = gate_up_out[..., 1::2]
    gate_out = jnp.minimum(gate_out, LIMIT)
    up_out = jnp.clip(up_out, -LIMIT, LIMIT)
    glu = gate_out * jax.nn.sigmoid(gate_out * ALPHA)
    activated = (up_out + 1.0) * glu  # [T, E, INTER]
    # --- down sparse matmul ---
    down_out = jnp.einsum("tei,eih->teh", activated, down_proj)  # [T, E, H]
    down_out = down_out * sparsity[:, :, None]
    down_out = down_out + down_proj_bias[None, :, :]
    # --- weighted sum over experts ---
    output = (down_out * router_scores[:, :, None]).sum(axis=1)  # [T, H]
    output = output.reshape(b, s, h)
    return (output, router_scores)

if __name__ == "__main__":
    import jax
    _d = setup_inputs()
    print(jax.jit(kernel)(*tuple(_d.values())))

</pallas_src>

<mosaic_0001>
module attributes {stable_mosaic.version = 14 : i64} {
  func.func @_router_kernel(%arg0: i32, %arg1: memref<2048x768xf32, #tpu.memory_space<vmem>>, %arg2: memref<8x768xf32, #tpu.memory_space<vmem>>, %arg3: memref<1x8xf32, #tpu.memory_space<vmem>>, %arg4: memref<2048x8xf32, #tpu.memory_space<vmem>>, %arg5: memref<2048x2xi32, #tpu.memory_space<vmem>>, %arg6: memref<2048x2xf32, #tpu.memory_space<vmem>>) attributes {dimension_semantics = [#tpu.dimension_semantics<arbitrary>], iteration_bounds = array<i64: 1>, scalar_prefetch = 0 : i64, scratch_operands = 0 : i64, tpu.core_type = #tpu.core_type<tc>, window_params = [{pipeline_mode = #tpu.pipeline_mode<synchronous>, transform_indices = @transform_0, window_bounds = array<i64: 2048, 768>}, {pipeline_mode = #tpu.pipeline_mode<synchronous>, transform_indices = @transform_1, window_bounds = array<i64: 8, 768>}, {pipeline_mode = #tpu.pipeline_mode<synchronous>, transform_indices = @transform_2, window_bounds = array<i64: 1, 8>}, {pipeline_mode = #tpu.pipeline_mode<synchronous>, transform_indices = @transform_3, window_bounds = array<i64: 2048, 8>}, {pipeline_mode = #tpu.pipeline_mode<synchronous>, transform_indices = @transform_4, window_bounds = array<i64: 2048, 2>}, {pipeline_mode = #tpu.pipeline_mode<synchronous>, transform_indices = @transform_5, window_bounds = array<i64: 2048, 2>}]} {
    %get3A = arith.constant 0 : index
    %get3A_0 = arith.constant 0 : index
    %get3A_1 = vector.load %arg1[%get3A, %get3A_0] : memref<2048x768xf32, #tpu.memory_space<vmem>>, vector<2048x768xf32>
    %convert_element_type3A = arith.truncf %get3A_1 : vector<2048x768xf32> to vector<2048x768xbf16>
    %get3A_2 = arith.constant 0 : index
    %get3A_3 = arith.constant 0 : index
    %get3A_4 = vector.load %arg2[%get3A_2, %get3A_3] : memref<8x768xf32, #tpu.memory_space<vmem>>, vector<8x768xf32>
    %convert_element_type3A_5 = arith.truncf %get3A_4 : vector<8x768xf32> to vector<8x768xbf16>
    %dot_general3A = arith.constant dense<0.000000e+00> : vector<2048x8xf32>
    %dot_general3A_6 = tpu.matmul %convert_element_type3A, %convert_element_type3A_5, %dot_general3A {dimension_numbers = #tpu.dot_dimension_numbers<[1], [1], [0], [0], [0, 0, 1, 0], [], []>, transpose_lhs_hint = false} : vector<2048x768xbf16>, vector<8x768xbf16>, vector<2048x8xf32> -> vector<2048x8xf32>
    %get3A_7 = arith.constant 0 : index
    %get3A_8 = arith.constant 0 : index
    %get3A_9 = vector.load %arg3[%get3A_7, %get3A_8] : memref<1x8xf32, #tpu.memory_space<vmem>>, vector<1x8xf32>
    %add3A = vector.broadcast %get3A_9 : vector<1x8xf32> to vector<2048x8xf32>
    %add3A_10 = arith.addf %dot_general3A_6, %add3A : vector<2048x8xf32>
    %iota3A = tpu.iota {dimensions = array<i32: 1>} : vector<2048x8xi32>
    %reduce_max3A = arith.constant dense<0xFF800000> : vector<2048xf32>
    %reduce_max3A_11 = vector.multi_reduction <maximumf>, %add3A_10, %reduce_max3A [1] : vector<2048x8xf32> to vector<2048xf32>
    %broadcast_in_dim3A = vector.shape_cast %reduce_max3A_11 : vector<2048xf32> to vector<2048x1xf32>
    %eq3A = vector.broadcast %broadcast_in_dim3A : vector<2048x1xf32> to vector<2048x8xf32>
    %eq3A_12 = arith.cmpf oeq, %add3A_10, %eq3A : vector<2048x8xf32>
    %jit3A = arith.constant 8 : i32
    %broadcast_in_dim3A_13 = vector.broadcast %jit3A : i32 to vector<2048x8xi32>
    %select_n3A = arith.select %eq3A_12, %iota3A, %broadcast_in_dim3A_13 : vector<2048x8xi1>, vector<2048x8xi32>
    %reduce_min3A = arith.constant dense<2147483647> : vector<2048xi32>
    %reduce_min3A_14 = vector.multi_reduction <minsi>, %select_n3A, %reduce_min3A [1] : vector<2048x8xi32> to vector<2048xi32>
    %broadcast_in_dim3A_15 = vector.shape_cast %reduce_min3A_14 : vector<2048xi32> to vector<2048x1xi32>
    %eq3A_16 = vector.broadcast %broadcast_in_dim3A_15 : vector<2048x1xi32> to vector<2048x8xi32>
    %eq3A_17 = arith.cmpi eq, %iota3A, %eq3A_16 : vector<2048x8xi32>
    %jit3A_18 = arith.constant 0xFF800000 : f32
    %broadcast_in_dim3A_19 = vector.broadcast %jit3A_18 : f32 to vector<2048x8xf32>
    %select_n3A_20 = arith.select %eq3A_17, %broadcast_in_dim3A_19, %add3A_10 : vector<2048x8xi1>, vector<2048x8xf32>
    %reduce_max3A_21 = arith.constant dense<0xFF800000> : vector<2048xf32>
    %reduce_max3A_22 = vector.multi_reduction <maximumf>, %select_n3A_20, %reduce_max3A_21 [1] : vector<2048x8xf32> to vector<2048xf32>
    %broadcast_in_dim3A_23 = vector.shape_cast %reduce_max3A_22 : vector<2048xf32> to vector<2048x1xf32>
    %eq3A_24 = vector.broadcast %broadcast_in_dim3A_23 : vector<2048x1xf32> to vector<2048x8xf32>
    %eq3A_25 = arith.cmpf oeq, %select_n3A_20, %eq3A_24 : vector<2048x8xf32>
    %jit3A_26 = arith.constant 8 : i32
    %broadcast_in_dim3A_27 = vector.broadcast %jit3A_26 : i32 to vector<2048x8xi32>
    %select_n3A_28 = arith.select %eq3A_25, %iota3A, %broadcast_in_dim3A_27 : vector<2048x8xi1>, vector<2048x8xi32>
    %reduce_min3A_29 = arith.constant dense<2147483647> : vector<2048xi32>
    %reduce_min3A_30 = vector.multi_reduction <minsi>, %select_n3A_28, %reduce_min3A_29 [1] : vector<2048x8xi32> to vector<2048xi32>
    %broadcast_in_dim3A_31 = vector.shape_cast %reduce_min3A_30 : vector<2048xi32> to vector<2048x1xi32>
    %eq3A_32 = vector.broadcast %broadcast_in_dim3A_31 : vector<2048x1xi32> to vector<2048x8xi32>
    %eq3A_33 = arith.cmpi eq, %iota3A, %eq3A_32 : vector<2048x8xi32>
    %sub3A = arith.subf %broadcast_in_dim3A_23, %broadcast_in_dim3A : vector<2048x1xf32>
    %exp3A = math.exp %sub3A : vector<2048x1xf32>
    %add3A_34 = arith.constant 1.000000e+00 : f32
    %add3A_35 = vector.broadcast %add3A_34 : f32 to vector<2048x1xf32>
    %add3A_36 = arith.addf %add3A_35, %exp3A : vector<2048x1xf32>
    %div3A = arith.constant 1.000000e+00 : f32
    %div3A_37 = vector.broadcast %div3A : f32 to vector<2048x1xf32>
    %div3A_38 = arith.divf %div3A_37, %add3A_36 : vector<2048x1xf32>
    %div3A_39 = arith.divf %exp3A, %add3A_36 : vector<2048x1xf32>
    %jit3A_40 = arith.constant 0.000000e+00 : f32
    %broadcast_in_dim3A_41 = vector.shape_cast %div3A_38 : vector<2048x1xf32> to vector<2048x1xf32>
    %broadcast_in_dim3A_42 = vector.broadcast %broadcast_in_dim3A_41 : vector<2048x1xf32> to vector<2048x8xf32>
    %broadcast_in_dim3A_43 = vector.broadcast %jit3A_40 : f32 to vector<2048x8xf32>
    %select_n3A_44 = arith.select %eq3A_17, %broadcast_in_dim3A_42, %broadcast_in_dim3A_43 : vector<2048x8xi1>, vector<2048x8xf32>
    %jit3A_45 = arith.constant 0.000000e+00 : f32
    %broadcast_in_dim3A_46 = vector.shape_cast %div3A_39 : vector<2048x1xf32> to vector<2048x1xf32>
    %broadcast_in_dim3A_47 = vector.broadcast %broadcast_in_dim3A_46 : vector<2048x1xf32> to vector<2048x8xf32>
    %broadcast_in_dim3A_48 = vector.broadcast %jit3A_45 : f32 to vector<2048x8xf32>
    %select_n3A_49 = arith.select %eq3A_33, %broadcast_in_dim3A_47, %broadcast_in_dim3A_48 : vector<2048x8xi1>, vector<2048x8xf32>
    %add3A_50 = arith.addf %select_n3A_44, %select_n3A_49 : vector<2048x8xf32>
    %swap3A = arith.constant 0 : index
    %swap3A_51 = arith.constant 0 : index
    %swap3A_52 = vector.load %arg4[%swap3A, %swap3A_51] : memref<2048x8xf32, #tpu.memory_space<vmem>>, vector<2048x8xf32>
    tpu.vector_store %arg4[%swap3A, %swap3A_51], %add3A_50 {strides = array<i32>} : memref<2048x8xf32, #tpu.memory_space<vmem>>, vector<2048x8xf32>,
    %concatenate3A = tpu.concatenate %broadcast_in_dim3A_15, %broadcast_in_dim3A_31 in 1 : vector<2048x1xi32>, vector<2048x1xi32> -> vector<2048x2xi32>
    %swap3A_53 = arith.constant 0 : index
    %swap3A_54 = arith.constant 0 : index
    %swap3A_55 = vector.load %arg5[%swap3A_53, %swap3A_54] : memref<2048x2xi32, #tpu.memory_space<vmem>>, vector<2048x2xi32>
    tpu.vector_store %arg5[%swap3A_53, %swap3A_54], %concatenate3A {strides = array<i32>} : memref<2048x2xi32, #tpu.memory_space<vmem>>, vector<2048x2xi32>,
    %concatenate3A_56 = tpu.concatenate %div3A_38, %div3A_39 in 1 : vector<2048x1xf32>, vector<2048x1xf32> -> vector<2048x2xf32>
    %swap3A_57 = arith.constant 0 : index
    %swap3A_58 = arith.constant 0 : index
    %swap3A_59 = vector.load %arg6[%swap3A_57, %swap3A_58] : memref<2048x2xf32, #tpu.memory_space<vmem>>, vector<2048x2xf32>
    tpu.vector_store %arg6[%swap3A_57, %swap3A_58], %concatenate3A_56 {strides = array<i32>} : memref<2048x2xf32, #tpu.memory_space<vmem>>, vector<2048x2xf32>,
    return
  }
  func.func @transform_0(%arg0: i32) -> (i32, i32) {
    %c0_i32 = arith.constant 0 : i32
    %c0_i32_0 = arith.constant 0 : i32
    %c0_i32_1 = arith.constant 0 : i32
    return %c0_i32, %c0_i32_0 : i32, i32
  }
  func.func @transform_1(%arg0: i32) -> (i32, i32) {
    %c0_i32 = arith.constant 0 : i32
    %c0_i32_0 = arith.constant 0 : i32
    %c0_i32_1 = arith.constant 0 : i32
    return %c0_i32, %c0_i32_0 : i32, i32
  }
  func.func @transform_2(%arg0: i32) -> (i32, i32) {
    %c0_i32 = arith.constant 0 : i32
    %c0_i32_0 = arith.constant 0 : i32
    %c0_i32_1 = arith.constant 0 : i32
    return %c0_i32, %c0_i32_0 : i32, i32
  }
  func.func @transform_3(%arg0: i32) -> (i32, i32) {
    %c0_i32 = arith.constant 0 : i32
    %c0_i32_0 = arith.constant 0 : i32
    %c0_i32_1 = arith.constant 0 : i32
    return %c0_i32, %c0_i32_0 : i32, i32
  }
  func.func @transform_4(%arg0: i32) -> (i32, i32) {
    %c0_i32 = arith.constant 0 : i32
    %c0_i32_0 = arith.constant 0 : i32
    %c0_i32_1 = arith.constant 0 : i32
    return %c0_i32, %c0_i32_0 : i32, i32
  }
  func.func @transform_5(%arg0: i32) -> (i32, i32) {
    %c0_i32 = arith.constant 0 : i32
    %c0_i32_0 = arith.constant 0 : i32
    %c0_i32_1 = arith.constant 0 : i32
    return %c0_i32, %c0_i32_0 : i32, i32
  }
}

module attributes {stable_mosaic.version = 14 : i64} {
  func.func @_gmm_kernel(%arg0: i32, %arg1: memref<24xi32, #tpu.memory_space<smem>>, %arg2: memref<256x768xf32, #tpu.memory_space<vmem>>, %arg3: memref<1x768x1536xf32, #tpu.memory_space<vmem>>, %arg4: memref<1x1x1536xf32, #tpu.memory_space<vmem>>, %arg5: memref<1x768x768xf32, #tpu.memory_space<vmem>>, %arg6: memref<1x1x768xf32, #tpu.memory_space<vmem>>, %arg7: memref<256x1xf32, #tpu.memory_space<vmem>>, %arg8: memref<256x768xf32, #tpu.memory_space<vmem>>, %arg9: memref<768x1536xbf16, #tpu.memory_space<vmem>>, %arg10: memref<1536x768xbf16, #tpu.memory_space<vmem>>) attributes {dimension_semantics = [#tpu.dimension_semantics<arbitrary>], iteration_bounds = array<i64: 24>, scalar_prefetch = 1 : i64, scratch_operands = 2 : i64, tpu.core_type = #tpu.core_type<tc>, window_params = [{transform_indices = @transform_0, window_bounds = array<i64: 256, 768>}, {transform_indices = @transform_1, window_bounds = array<i64: 1, 768, 1536>}, {transform_indices = @transform_2, window_bounds = array<i64: 1, 1, 1536>}, {transform_indices = @transform_3, window_bounds = array<i64: 1, 768, 768>}, {transform_indices = @transform_4, window_bounds = array<i64: 1, 1, 768>}, {transform_indices = @transform_5, window_bounds = array<i64: 256, 1>}, {transform_indices = @transform_6, window_bounds = array<i64: 256, 768>}]} {
    %get3A = arith.index_cast %arg0 : i32 to index
    %get3A_0 = memref.load %arg1[%get3A] : memref<24xi32, #tpu.memory_space<smem>>
    %sub3A = arith.constant 1 : i32
    %sub3A_1 = arith.subi %arg0, %sub3A : i32
    %max3A = arith.constant 0 : i32
    %max3A_2 = arith.maxsi %sub3A_1, %max3A : i32
    %get3A_3 = arith.index_cast %max3A_2 : i32 to index
    %get3A_4 = memref.load %arg1[%get3A_3] : memref<24xi32, #tpu.memory_space<smem>>
    %eq3A = arith.constant 0 : i32
    %eq3A_5 = arith.cmpi eq, %arg0, %eq3A : i32
    %ne3A = arith.cmpi ne, %get3A_0, %get3A_4 : i32
    %or3A = arith.ori %eq3A_5, %ne3A : i1
    %ge3A = arith.constant 0 : i32
    %ge3A_6 = arith.cmpi sge, %get3A_0, %ge3A : i32
    %and3A = arith.andi %ge3A_6, %or3A : i1
    %convert_element_type3A = arith.extui %and3A : i1 to i32
    %cond3A = arith.constant 0 : i32
    %cond3A_7 = arith.cmpi ne, %convert_element_type3A, %cond3A : i32
    scf.if %cond3A_7 {
      %get3A_17 = arith.constant 0 : index
      %get3A_18 = arith.constant 0 : index
      %get3A_19 = arith.constant 0 : index
      %get3A_20 = vector.load %arg3[%get3A_17, %get3A_18, %get3A_19] : memref<1x768x1536xf32, #tpu.memory_space<vmem>>, vector<1x768x1536xf32>
      %get3A_21 = vector.shape_cast %get3A_20 : vector<1x768x1536xf32> to vector<768x1536xf32>
      %convert_element_type3A_22 = arith.truncf %get3A_21 : vector<768x1536xf32> to vector<768x1536xbf16>
      %swap3A = arith.constant 0 : index
      %swap3A_23 = arith.constant 0 : index
      %swap3A_24 = vector.load %arg9[%swap3A, %swap3A_23] : memref<768x1536xbf16, #tpu.memory_space<vmem>>, vector<768x1536xbf16>
      tpu.vector_store %arg9[%swap3A, %swap3A_23], %convert_element_type3A_22 {strides = array<i32>} : memref<768x1536xbf16, #tpu.memory_space<vmem>>, vector<768x1536xbf16>,
      %get3A_25 = arith.constant 0 : index
      %get3A_26 = arith.constant 0 : index
      %get3A_27 = arith.constant 0 : index
      %get3A_28 = vector.load %arg5[%get3A_25, %get3A_26, %get3A_27] : memref<1x768x768xf32, #tpu.memory_space<vmem>>, vector<1x768x768xf32>
      %get3A_29 = vector.shape_cast %get3A_28 : vector<1x768x768xf32> to vector<768x768xf32>
      %convert_element_type3A_30 = arith.truncf %get3A_29 : vector<768x768xf32> to vector<768x768xbf16>
      %broadcast_in_dim3A = vector.shape_cast %convert_element_type3A_30 : vector<768x768xbf16> to vector<768x1x768xbf16>
      %broadcast_in_dim3A_31 = arith.constant 0.000000e+00 : bf16
      %broadcast_in_dim3A_32 = vector.broadcast %broadcast_in_dim3A_31 : bf16 to vector<768x768xbf16>
      %broadcast_in_dim3A_33 = vector.shape_cast %broadcast_in_dim3A_32 : vector<768x768xbf16> to vector<768x1x768xbf16>
      %concatenate3A = tpu.concatenate %broadcast_in_dim3A, %broadcast_in_dim3A_33 in 1 : vector<768x1x768xbf16>, vector<768x1x768xbf16> -> vector<768x2x768xbf16>
      %reshape3A = vector.shape_cast %concatenate3A : vector<768x2x768xbf16> to vector<1536x768xbf16>
      %swap3A_34 = arith.constant 0 : index
      %swap3A_35 = arith.constant 0 : index
      %swap3A_36 = vector.load %arg10[%swap3A_34, %swap3A_35] : memref<1536x768xbf16, #tpu.memory_space<vmem>>, vector<1536x768xbf16>
      tpu.vector_store %arg10[%swap3A_34, %swap3A_35], %reshape3A {strides = array<i32>} : memref<1536x768xbf16, #tpu.memory_space<vmem>>, vector<1536x768xbf16>,
    } else {
    }
    %ge3A_8 = arith.constant 0 : i32
    %ge3A_9 = arith.cmpi sge, %get3A_0, %ge3A_8 : i32
    %convert_element_type3A_10 = arith.extui %ge3A_9 : i1 to i32
    %cond3A_11 = arith.constant 0 : i32
    %cond3A_12 = arith.cmpi ne, %convert_element_type3A_10, %cond3A_11 : i32
    scf.if %cond3A_12 {
      %get3A_17 = arith.constant 0 : index
      %get3A_18 = arith.constant 0 : index
      %get3A_19 = vector.load %arg2[%get3A_17, %get3A_18] : memref<256x768xf32, #tpu.memory_space<vmem>>, vector<256x768xf32>
      %convert_element_type3A_20 = arith.truncf %get3A_19 : vector<256x768xf32> to vector<256x768xbf16>
      %get3A_21 = arith.constant 0 : index
      %get3A_22 = arith.constant 0 : index
      %get3A_23 = vector.load %arg9[%get3A_21, %get3A_22] : memref<768x1536xbf16, #tpu.memory_space<vmem>>, vector<768x1536xbf16>
      %dot_general3A = arith.constant dense<0.000000e+00> : vector<256x1536xf32>
      %dot_general3A_24 = tpu.matmul %convert_element_type3A_20, %get3A_23, %dot_general3A {dimension_numbers = #tpu.dot_dimension_numbers<[1], [0], [0], [1], [0, 0, 1, 1], [], []>, transpose_lhs_hint = false} : vector<256x768xbf16>, vector<768x1536xbf16>, vector<256x1536xf32> -> vector<256x1536xf32>
      %get3A_25 = arith.constant 0 : index
      %get3A_26 = arith.constant 0 : index
      %get3A_27 = arith.constant 0 : index
      %get3A_28 = vector.load %arg4[%get3A_25, %get3A_26, %get3A_27] : memref<1x1x1536xf32, #tpu.memory_space<vmem>>, vector<1x1x1536xf32>
      %get3A_29 = vector.shape_cast %get3A_28 : vector<1x1x1536xf32> to vector<1x1536xf32>
      %add3A = vector.broadcast %get3A_29 : vector<1x1536xf32> to vector<256x1536xf32>
      %add3A_30 = arith.addf %dot_general3A_24, %add3A : vector<256x1536xf32>
      %roll3A = arith.constant 1535 : i32
      %roll3A_31 = tpu.dynamic_rotate %add3A_30 by %roll3A dim 1 : vector<256x1536xf32>, i32 -> vector<256x1536xf32>
      %min3A = arith.constant 7.000000e+00 : f32
      %min3A_32 = vector.broadcast %min3A : f32 to vector<256x1536xf32>
      %min3A_33 = arith.minimumf %add3A_30, %min3A_32 : vector<256x1536xf32>
      %jit3A = arith.constant -7.000000e+00 : f32
      %jit3A_34 = arith.constant 7.000000e+00 : f32
      %max3A_35 = vector.broadcast %jit3A : f32 to vector<256x1536xf32>
      %max3A_36 = arith.maximumf %max3A_35, %roll3A_31 : vector<256x1536xf32>
      %min3A_37 = vector.broadcast %jit3A_34 : f32 to vector<256x1536xf32>
      %min3A_38 = arith.minimumf %min3A_37, %max3A_36 : vector<256x1536xf32>
      %mul3A = arith.constant 1.702000e+00 : f32
      %mul3A_39 = vector.broadcast %mul3A : f32 to vector<256x1536xf32>
      %mul3A_40 = arith.mulf %min3A_33, %mul3A_39 : vector<256x1536xf32>
      %logistic3A = arith.negf %mul3A_40 : vector<256x1536xf32>
      %logistic3A_41 = math.exp %logistic3A : vector<256x1536xf32>
      %logistic3A_42 = arith.constant 1.000000e+00 : f32
      %logistic3A_43 = vector.broadcast %logistic3A_42 : f32 to vector<256x1536xf32>
      %logistic3A_44 = arith.addf %logistic3A_43, %logistic3A_41 : vector<256x1536xf32>
      %logistic3A_45 = arith.divf %logistic3A_43, %logistic3A_44 : vector<256x1536xf32>
      %mul3A_46 = arith.mulf %min3A_33, %logistic3A_45 : vector<256x1536xf32>
      %add3A_47 = arith.constant 1.000000e+00 : f32
      %add3A_48 = vector.broadcast %add3A_47 : f32 to vector<256x1536xf32>
      %add3A_49 = arith.addf %min3A_38, %add3A_48 : vector<256x1536xf32>
      %mul3A_50 = arith.mulf %add3A_49, %mul3A_46 : vector<256x1536xf32>
      %iota3A = tpu.iota {dimensions = array<i32: 1>} : vector<256x1536xi32>
      %jit3A_51 = arith.constant 2 : i32
      %eq3A_52 = arith.constant 0 : i32
      %eq3A_53 = arith.cmpi eq, %jit3A_51, %eq3A_52 : i32
      %jit3A_54 = arith.constant 1 : i32
      %select_n3A = arith.select %eq3A_53, %jit3A_54, %jit3A_51 : i32
      %rem3A = vector.broadcast %select_n3A : i32 to vector<256x1536xi32>
      %rem3A_55 = arith.remsi %iota3A, %rem3A : vector<256x1536xi32>
      %ne3A_56 = arith.constant 0 : i32
      %ne3A_57 = vector.broadcast %ne3A_56 : i32 to vector<256x1536xi32>
      %ne3A_58 = arith.cmpi ne, %rem3A_55, %ne3A_57 : vector<256x1536xi32>
      %lt3A_59 = arith.constant 0 : i32
      %lt3A_60 = vector.broadcast %lt3A_59 : i32 to vector<256x1536xi32>
      %lt3A_61 = arith.cmpi slt, %rem3A_55, %lt3A_60 : vector<256x1536xi32>
      %lt3A_62 = arith.constant 0 : i32
      %lt3A_63 = arith.cmpi slt, %select_n3A, %lt3A_62 : i32
      %ne3A_64 = vector.broadcast %lt3A_63 : i1 to vector<256x1536xi1>
      %ne3A_65 = vector.broadcast %ne3A_64 : vector<256x1536xi1> to vector<256x1536xi1>
      %ne3A_66 = arith.xori %lt3A_61, %ne3A_65 : vector<256x1536xi1>
      %and3A_67 = arith.andi %ne3A_66, %ne3A_58 : vector<256x1536xi1>
      %add3A_68 = vector.broadcast %select_n3A : i32 to vector<256x1536xi32>
      %add3A_69 = arith.addi %rem3A_55, %add3A_68 : vector<256x1536xi32>
      %select_n3A_70 = arith.select %and3A_67, %add3A_69, %rem3A_55 : vector<256x1536xi1>, vector<256x1536xi32>
      %eq3A_71 = arith.constant 0 : i32
      %eq3A_72 = vector.broadcast %eq3A_71 : i32 to vector<256x1536xi32>
      %eq3A_73 = arith.cmpi eq, %select_n3A_70, %eq3A_72 : vector<256x1536xi32>
      %jit3A_74 = arith.constant 0.000000e+00 : f32
      %broadcast_in_dim3A = vector.broadcast %jit3A_74 : f32 to vector<256x1536xf32>
      %select_n3A_75 = arith.select %eq3A_73, %mul3A_50, %broadcast_in_dim3A : vector<256x1536xi1>, vector<256x1536xf32>
      %convert_element_type3A_76 = arith.truncf %select_n3A_75 : vector<256x1536xf32> to vector<256x1536xbf16>
      %get3A_77 = arith.constant 0 : index
      %get3A_78 = arith.constant 0 : index
      %get3A_79 = vector.load %arg10[%get3A_77, %get3A_78] : memref<1536x768xbf16, #tpu.memory_space<vmem>>, vector<1536x768xbf16>
      %dot_general3A_80 = arith.constant dense<0.000000e+00> : vector<256x768xf32>
      %dot_general3A_81 = tpu.matmul %convert_element_type3A_76, %get3A_79, %dot_general3A_80 {dimension_numbers = #tpu.dot_dimension_numbers<[1], [0], [0], [1], [0, 0, 1, 1], [], []>, transpose_lhs_hint = false} : vector<256x1536xbf16>, vector<1536x768xbf16>, vector<256x768xf32> -> vector<256x768xf32>
      %get3A_82 = arith.constant 0 : index
      %get3A_83 = arith.constant 0 : index
      %get3A_84 = arith.constant 0 : index
      %get3A_85 = vector.load %arg6[%get3A_82, %get3A_83, %get3A_84] : memref<1x1x768xf32, #tpu.memory_space<vmem>>, vector<1x1x768xf32>
      %get3A_86 = vector.shape_cast %get3A_85 : vector<1x1x768xf32> to vector<1x768xf32>
      %add3A_87 = vector.broadcast %get3A_86 : vector<1x768xf32> to vector<256x768xf32>
      %add3A_88 = arith.addf %dot_general3A_81, %add3A_87 : vector<256x768xf32>
      %get3A_89 = arith.constant 0 : index
      %get3A_90 = arith.constant 0 : index
      %get3A_91 = vector.load %arg7[%get3A_89, %get3A_90] : memref<256x1xf32, #tpu.memory_space<vmem>>, vector<256x1xf32>
      %mul3A_92 = vector.broadcast %get3A_91 : vector<256x1xf32> to vector<256x768xf32>
      %mul3A_93 = arith.mulf %add3A_88, %mul3A_92 : vector<256x768xf32>
      %swap3A = arith.constant 0 : index
      %swap3A_94 = arith.constant 0 : index
      %swap3A_95 = vector.load %arg8[%swap3A, %swap3A_94] : memref<256x768xf32, #tpu.memory_space<vmem>>, vector<256x768xf32>
      tpu.vector_store %arg8[%swap3A, %swap3A_94], %mul3A_93 {strides = array<i32>} : memref<256x768xf32, #tpu.memory_space<vmem>>, vector<256x768xf32>,
    } else {
    }
    %lt3A = arith.constant 0 : i32
    %lt3A_13 = arith.cmpi slt, %get3A_0, %lt3A : i32
    %convert_element_type3A_14 = arith.extui %lt3A_13 : i1 to i32
    %cond3A_15 = arith.constant 0 : i32
    %cond3A_16 = arith.cmpi ne, %convert_element_type3A_14, %cond3A_15 : i32
    scf.if %cond3A_16 {
      %broadcast_in_dim3A = arith.constant 0.000000e+00 : f32
      %broadcast_in_dim3A_17 = vector.broadcast %broadcast_in_dim3A : f32 to vector<256x768xf32>
      %swap3A = arith.constant 0 : index
      %swap3A_18 = arith.constant 0 : index
      %swap3A_19 = vector.load %arg8[%swap3A, %swap3A_18] : memref<256x768xf32, #tpu.memory_space<vmem>>, vector<256x768xf32>
      tpu.vector_store %arg8[%swap3A, %swap3A_18], %broadcast_in_dim3A_17 {strides = array<i32>} : memref<256x768xf32, #tpu.memory_space<vmem>>, vector<256x768xf32>,
    } else {
    }
    return
  }
  func.func @transform_0(%arg0: i32, %arg1: memref<24xi32, #tpu.memory_space<smem>>) -> (i32, i32) {
    %c0_i32 = arith.constant 0 : i32
    %c0_i32_0 = arith.constant 0 : i32
    return %arg0, %c0_i32 : i32, i32
  }
  func.func @transform_1(%arg0: i32, %arg1: memref<24xi32, #tpu.memory_space<smem>>) -> (i32, i32, i32) {
    %get3A = arith.index_cast %arg0 : i32 to index
    %get3A_0 = memref.load %arg1[%get3A] : memref<24xi32, #tpu.memory_space<smem>>
    %max3A = arith.constant 0 : i32
    %max3A_1 = arith.maxsi %get3A_0, %max3A : i32
    %c0_i32 = arith.constant 0 : i32
    %c0_i32_2 = arith.constant 0 : i32
    %c0_i32_3 = arith.constant 0 : i32
    return %max3A_1, %c0_i32, %c0_i32_2 : i32, i32, i32
  }
  func.func @transform_2(%arg0: i32, %arg1: memref<24xi32, #tpu.memory_space<smem>>) -> (i32, i32, i32) {
    %get3A = arith.index_cast %arg0 : i32 to index
    %get3A_0 = memref.load %arg1[%get3A] : memref<24xi32, #tpu.memory_space<smem>>
    %max3A = arith.constant 0 : i32
    %max3A_1 = arith.maxsi %get3A_0, %max3A : i32
    %c0_i32 = arith.constant 0 : i32
    %c0_i32_2 = arith.constant 0 : i32
    %c0_i32_3 = arith.constant 0 : i32
    return %max3A_1, %c0_i32, %c0_i32_2 : i32, i32, i32
  }
  func.func @transform_3(%arg0: i32, %arg1: memref<24xi32, #tpu.memory_space<smem>>) -> (i32, i32, i32) {
    %get3A = arith.index_cast %arg0 : i32 to index
    %get3A_0 = memref.load %arg1[%get3A] : memref<24xi32, #tpu.memory_space<smem>>
    %max3A = arith.constant 0 : i32
    %max3A_1 = arith.maxsi %get3A_0, %max3A : i32
    %c0_i32 = arith.constant 0 : i32
    %c0_i32_2 = arith.constant 0 : i32
    %c0_i32_3 = arith.constant 0 : i32
    return %max3A_1, %c0_i32, %c0_i32_2 : i32, i32, i32
  }
  func.func @transform_4(%arg0: i32, %arg1: memref<24xi32, #tpu.memory_space<smem>>) -> (i32, i32, i32) {
    %get3A = arith.index_cast %arg0 : i32 to index
    %get3A_0 = memref.load %arg1[%get3A] : memref<24xi32, #tpu.memory_space<smem>>
    %max3A = arith.constant 0 : i32
    %max3A_1 = arith.maxsi %get3A_0, %max3A : i32
    %c0_i32 = arith.constant 0 : i32
    %c0_i32_2 = arith.constant 0 : i32
    %c0_i32_3 = arith.constant 0 : i32
    return %max3A_1, %c0_i32, %c0_i32_2 : i32, i32, i32
  }
  func.func @transform_5(%arg0: i32, %arg1: memref<24xi32, #tpu.memory_space<smem>>) -> (i32, i32) {
    %c0_i32 = arith.constant 0 : i32
    %c0_i32_0 = arith.constant 0 : i32
    return %arg0, %c0_i32 : i32, i32
  }
  func.func @transform_6(%arg0: i32, %arg1: memref<24xi32, #tpu.memory_space<smem>>) -> (i32, i32) {
    %c0_i32 = arith.constant 0 : i32
    %c0_i32_0 = arith.constant 0 : i32
    return %arg0, %c0_i32 : i32, i32
  }
}

</mosaic_0001>

<sc_bundles>
// kernel: gather_offload_async_start
scs
__scs_entry_jumppad:
0x0: {  	(pc) =	sbr.rel $0x88, $3  }
0x1: {  	(tag) =	ssettag $0x0;
	lr =	simm.s32 $0x1  }
0x2: {  	[smem:$0x3F9A] =	sst lr;
	_ =	strace $0xD0000000  }
0x3: {  	_ = 	snop  }
0x4: {  	_ = 	snop  }
0x5: {  	_ = 	snop  }
0x6: {  	_ = 	snop  }
0x7: {  	_ = 	snop  }
__scs_overlays_trampoline_lowered:
0x8: {  	[smem:$0x3FA9] =	sst s0  }
0x9: {  	[smem:$0x3FAA] =	sst s1  }
0xa: {  	[smem:$0x3FAB] =	sst s2  }
0xb: {  	[smem:$0x3FAC] =	sst s3  }
0xc: {  	[smem:$0x3FAD] =	sst s4  }
0xd: {  	[smem:$0x3FAE] =	sst s5  }
0xe: {  	[smem:$0x3FAF] =	sst s6  }
0xf: {  	[smem:$0x3FB0] =	sst s7  }
0x10: {  	[smem:$0x3FB1] =	sst s8  }
0x11: {  	[smem:$0x3FB2] =	sst s9;
	s0 =	simm.s32 @!p0 $0x0  }
0x12: {  	s1 =	sld [smem:$0x3F98];
	s0 =	simm.s32 @p0 $0x1  }
0x13: {  	[smem:$0x3FB3] =	sst s0;
	s0 =	simm.s32 @!p1 $0x0  }
0x14: {  	s2 =	sld [smem:$0x3F97];
	s0 =	simm.s32 @p1 $0x1  }
0x15: {  	[smem:$0x3FB4] =	sst s0;
	s0 =	simm.s32 @!p2 $0x0  }
0x16: {  	s3 =	sld [smem:$0x3FDB];
	s0 =	simm.s32 @p2 $0x1  }
0x17: {  	s4 =	simm.s32 $0x1BF5;
	[smem:$0x3FB6] =	sst s0  }
0x18: {  	s0 =	sld [smem:$0x3F99];
	_ =	swait.ge [sflag:s4], $0x0  }
0x19: {  	s7 =	sld [smem:$0x3F9A]  }
0x1a: {  	s8 =	sadd.s32 $0xFFFFE003, lr  }
0x1b: {  	s9 =	sadd.s32 $0xFFFFFEF7, lr;
	s5 =	simm.s32 $0xFFFFFFFF;
	p2 =	slt.u32 s8, $0xFFFFF086  }
0x1c: {  	p1 =	slt.u32 s9, $0xF7A;
	s5 =	simm.s32 @!p2 $0x0  }
0x1d: {  	s5 =	simm.s32 @p1 $0x1;
	p0 =	seq.s32 s7, s2  }
0x1e: {  	s7 =	smul.u32 @!p0 $0xF7A, s2;
	p2 =	seq.s32 @!p0 s5, $0x0  }
0x1f: {  	s9 =	smul.u32 $0xF7A, s1;
	s8 =	simm.s32 @!p0 $0x1BF5;
	p2 =	por !p2, p0  }
0x20: {  	[sflag:s8] =	ssyncset.s32 @!p0 $0xFFFFF086;
	s6 =	sadd.s32 @!p0 s3, s7;
	s7 =	simm.s32 @!p0 $0x108  }
0x21: {  	s3 =	sadd.s32 s3, s9;
	s6 =	sadd.s32 @!p0 $0x88, s6;
	s7 =	simm.s32 @p2 $0x1082  }
0x22: {  	[simem:s7], [sflag:s8] =	dma.local @!p0 [hbm:s6], $0xF7A  }
0x23: {  	s9 =	sor.u32 $0xD0000000, s2;
	s6 =	simm.s32 $0x108;
	_ =	swait.ge @!p0 [sflag:s8], $0x0  }
0x24: {  	s3 =	sadd.s32 $0x88, s3;
	s6 =	simm.s32 @!p1 $0x1082;
	[sflag:s4] =	ssyncset.s32 $0xFFFFF086  }
0x25: {  	[simem:s6], [sflag:s4] =	dma.local [hbm:s3], $0xF7A  }
0x26: {  	[smem:$0x3F9A] =	sst s1;
	(tag) =	ssettag s2;
	_ =	strace s9  }
0x27: {  	s1 =	sld [smem:$0x3FAA]  }
0x28: {  	s2 =	sld [smem:$0x3FAB]  }
0x29: {  	s4 =	sld [smem:$0x3FAD]  }
0x2a: {  	p0 =	seq.s32 s5, $0x0;
	s5 =	sld [smem:$0x3FAE]  }
0x2b: {  	s6 =	sld [smem:$0x3FAF]  }
0x2c: {  	s7 =	sld [smem:$0x3FB0]  }
0x2d: {  	s3 =	simm.s32 $0x108;
	s8 =	sld [smem:$0x3FB1]  }
0x2e: {  	s3 =	simm.s32 @!p0 $0x1082;
	s9 =	sld [smem:$0x3FB2]  }
0x2f: {  	lr =	sadd.s32 s0, s3;
	s0 =	sld [smem:$0x3FA9]  }
0x30: {  	s3 =	sld [smem:$0x3FAC]  }
0x31: {  	[smem:$0x3FB5] =	sst s10  }
0x32: {  	s10 =	sld [smem:$0x3FB3];
	_ =	sdelay $0x3  }
0x33: {  	p0 =	seq.s32 s10, $0x1;
	s10 =	sld [smem:$0x3FB5];
	_ =	sdelay $0x3  }
0x34: {  	[smem:$0x3FB5] =	sst s10  }
0x35: {  	s10 =	sld [smem:$0x3FB4];
	_ =	sdelay $0x3  }
0x36: {  	p1 =	seq.s32 s10, $0x1;
	s10 =	sld [smem:$0x3FB5];
	_ =	sdelay $0x3  }
0x37: {  	[smem:$0x3FB5] =	sst s10  }
0x38: {  	s10 =	sld [smem:$0x3FB6]  }
0x39: {  	_ = 	snop;
	(pc) =	sbr.ind lr, $3  }
0x3a: {  	_ = 	snop  }
0x3b: {  	_ = 	snop  }
0x3c: {  	p2 =	seq.s32 s10, $0x1;
	s10 =	sld [smem:$0x3FB5]  }
0x3d: {  	_ =	shalt  }
0x3e: {  	_ =	shalt  }
0x3f: {  	_ =	shalt  }
0x40: {  	_ =	shalt  }
0x41: {  	_ =	shalt  }
0x42: {  	_ =	shalt  }
0x43: {  	_ =	shalt  }
0x44: {  	_ =	shalt  }
0x45: {  	_ =	shalt  }
0x46: {  	_ =	shalt  }
0x47: {  	_ =	shalt  }
0x48: {  	_ =	shalt  }
0x49: {  	_ =	shalt  }
0x4a: {  	_ =	shalt  }
0x4b: {  	_ =	shalt  }
0x4c: {  	_ =	shalt  }
0x4d: {  	_ =	shalt  }
0x4e: {  	_ =	shalt  }
0x4f: {  	_ =	shalt  }
0x50: {  	_ =	shalt  }
0x51: {  	_ =	shalt  }
0x52: {  	_ =	shalt  }
0x53: {  	_ =	shalt  }
0x54: {  	_ =	shalt  }
0x55: {  	_ =	shalt  }
0x56: {  	_ =	shalt  }
0x57: {  	_ =	shalt  }
0x58: {  	_ =	shalt  }
0x59: {  	_ =	shalt  }
0x5a: {  	_ =	shalt  }
0x5b: {  	_ =	shalt  }
0x5c: {  	_ =	shalt  }
0x5d: {  	_ =	shalt  }
0x5e: {  	_ =	shalt  }
0x5f: {  	_ =	shalt  }
0x60: {  	_ =	shalt  }
0x61: {  	_ =	shalt  }
0x62: {  	_ =	shalt  }
0x63: {  	_ =	shalt  }
0x64: {  	_ =	shalt  }
0x65: {  	_ =	shalt  }
0x66: {  	_ =	shalt  }
0x67: {  	_ =	shalt  }
0x68: {  	_ =	shalt  }
0x69: {  	_ =	shalt  }
0x6a: {  	_ =	shalt  }
0x6b: {  	_ =	shalt  }
0x6c: {  	_ =	shalt  }
0x6d: {  	_ =	shalt  }
0x6e: {  	_ =	shalt  }
0x6f: {  	_ =	shalt  }
0x70: {  	_ =	shalt  }
0x71: {  	_ =	shalt  }
0x72: {  	_ =	shalt  }
0x73: {  	_ =	shalt  }
0x74: {  	_ =	shalt  }
0x75: {  	_ =	shalt  }
0x76: {  	_ =	shalt  }
0x77: {  	_ =	shalt  }
0x78: {  	_ =	shalt  }
0x79: {  	_ =	shalt  }
0x7a: {  	_ =	shalt  }
0x7b: {  	_ =	shalt  }
0x7c: {  	_ =	shalt  }
0x7d: {  	_ =	shalt  }
0x7e: {  	_ =	shalt  }
0x7f: {  	_ =	shalt  }
0x80: {  	_ =	shalt  }
0x81: {  	_ =	shalt  }
0x82: {  	_ =	shalt  }
0x83: {  	_ =	shalt  }
0x84: {  	_ =	shalt  }
0x85: {  	_ =	shalt  }
0x86: {  	_ =	shalt  }
0x87: {  	_ =	shalt  }
.Lfunc_end0:
.L_simem_size_0:
called_computation_lowered:
.L_overlay_start_0:
0x88: {  	s2 =	sld [smem:$0x3FD9]  }
0x89: {  	s3 =	sld [smem:$0x3FFE];
	_ =	sdelay $0x1  }
0x8a: {  	s1 =	srdreg.scid  }
0x8b: {  	s0 =	sand.u32 $0x1, s1  }
0x8c: {  	s14 =	sshll.u32 s0, $0xA;
	s2 =	sadd.s32 s3, s2  }
0x8d: {  	s2 =	sadd.s32 s2, s14  }
0x8e: {  	[smem:$0x3FC1] =	sst s2  }
0x8f: {  	_ = 	snop  }
0x90: {  	s2 =	sld [smem:$0x3FD0];
	_ =	sdelay $0x2  }
0x91: {  	s15 =	simm.s32 $0xA;
	s4 =	simm.s32 $0x10  }
0x92: {  	[smem:s4], [sflag:s15] =	dma.local [hbm:s2], $0x1  }
0x93: {  	_ =	swait.eq [sflag:s15], $0x1  }
0x94: {  	[sflag:s15] =	ssyncset.done $0x0  }
0x95: {  	[sflag:s15] =	ssyncadd.s32 $0xFFFFFFFF  }
0x96: {  	s16 =	sld [smem:$0x10];
	(tm) =	ssettm $0x1  }
0x97: {  	s17 =	sld [smem:$0x3FFB];
	_ =	sdelay $0x3  }
0x98: {  	_ =	strace s17  }
0x99: {  	s3 =	sld [smem:$0x3FFC];
	_ =	sdelay $0x3  }
0x9a: {  	_ =	strace s3  }
0x9b: {  	s3 =	sld [smem:$0x3FFD];
	_ =	sdelay $0x3  }
0x9c: {  	_ =	strace s3  }
0x9d: {  	_ =	strace $0x8FFFFFFF  }
0x9e: {  	s18 =	sld [smem:$0x3FDB];
	_ =	sdelay $0x1  }
0x9f: {  	s19 =	simm.s32 $_scs_section_size  }
0xa0: {  	s5 =	simm.s32 $_size__tile_overlayer_lowered;
	s6 =	simm.s32 $_tile_overlayer_lowered  }
0xa1: {  	s22 =	simm.s32 $0x1BFF;
	s21 =	sshll.u32 s6, $0x1;
	s3 =	sadd.s32 s19, s18  }
0xa2: {  	s7 =	simm.s32 $0x0;
	s20 =	sshll.u32 s5, $0x1;
	s5 =	sadd.s32 s21, s3  }
0xa3: {  	[timem:s7], [sflag:s22] =	dma.local [hbm:s5], s20  }
0xa4: {  	_ =	swait.ge [sflag:s22], s20  }
0xa5: {  	s4 =	ssub.s32 $0x0, s20;
	[sflag:s22] =	ssyncset.done $0x0  }
0xa6: {  	[sflag:s22] =	ssyncadd.s32 s4;
	_ =	sdelay $0x1  }
0xa7: {  	s23 =	simm.s32 $0x1B8B  }
0xa8: {  	_ =	swait.ge [sflag:s23], $0x1  }
0xa9: {  	[sflag:s23] =	ssyncset.done $0x0  }
0xaa: {  	s25 =	simm.s32 $0x1B8E;
	s24 =	sld [smem:$0x3FFE];
	[sflag:s23] =	ssyncadd.s32 $0xFFFFFFFF  }
0xab: {  	s26 =	simm.s32 $execute0_lowered;
	[smem:$0x3FD2] =	sst s25  }
0xac: {  	s5 =	sshll.u32 s26, $0x1;
	_ =	strace $0x80000046;
	[dreg:$0x1] =	wrdreg $0xFFFFFFFF  }
0xad: {  	s28 =	simm.s32 $_size_execute0_lowered;
	s3 =	sadd.s32 s3, s5;
	[dreg:$0x0] =	wrdreg $0x0  }
0xae: {  	s5 =	sshll.u32 s28, $0x1;
	[dreg:$0x2] =	wrdreg s3  }
0xaf: {  	[dreg:$0x3] =	wrdreg s5  }
0xb0: {  	[dreg:$0x4] =	wrdreg $0xC0  }
0xb1: {  	_ =	task [dreg:s7], $0x5FFFF  }
0xb2: {  	[dreg:$0x1] =	wrdreg $0xFFFFFFFF  }
0xb3: {  	[dreg:$0x0] =	wrdreg $0x60  }
0xb4: {  	[dreg:$0x2] =	wrdreg s16  }
0xb5: {  	[dreg:$0x3] =	wrdreg s24  }
0xb6: {  	[dreg:$0x4] =	wrdreg $0x9  }
0xb7: {  	_ =	task.clear_ibuf [dreg:s7], $0x5FFFF;
	_ =	strace $0x90000046  }
0xb8: {  	s29 =	simm.s32 $0x9;
	_ =	strace $0x80000048  }
0xb9: {  	_ =	swait.ge [sflag:s29], $0x1  }
0xba: {  	[sflag:s29] =	ssyncadd.s32 $0xFFFFFFFF  }
0xbb: {  	_ =	strace $0x90000048  }
0xbc: {  	_ =	sfence  }
0xbd: {  	s30 =	sld [smem:$0x0];
	_ =	sdelay $0x2  }
0xbe: {  	s31 =	sshll.u32 s1, $0xD;
	s1 =	sshrl.u32 s1, $0x2  }
0xbf: {  	s3 =	sand.u32 $0x4000, s31;
	s1 =	sadd.s32 s1, s30  }
0xc0: {  	s0 =	sor.u32 s3, s0;
	s1 =	sshll.u32 s1, $0x11  }
0xc1: {  	s0 =	sor.u32 s1, s0  }
0xc2: {  	s0 =	sadd.s32 $0x8F2B, s0  }
0xc3: {  	[sflag:s0] =	ssyncadd.remote.s32 $0x1  }
0xc4: {  	_ =	sfence.sel $0xFFFF  }
0xc5: {  	[dreg:$0x0] =	wrdreg $0xFFFFFFFF;
	(pc) =	sbr.abs _section_cstart, $3  }
0xc6: {  	[dreg:$0x1] =	wrdreg $0xFFFFFFFF  }
0xc7: {  	_ =	task.clear_ibuf [dreg:s7], $0x2FFFF;
	_ =	strace $0x9FFFFFFF  }
0xc8: {  	(tm) =	ssettm $0x7FFFFFFF  }
0xc9: {  	_ =	shalt  }
tec
execute0_lowered:
.L_overlay_start_1:
0x0: {  	(tag) =	ssettag $0x1  }
0x1: {  	s1 =	srdreg.scid;
	s2 =	rddreg [dreg:$0x0]  }
0x2: {  	s0 =	stileid.u32;
	s3 =	rddreg [dreg:$0x1]  }
0x3: {  	s6 =	simm.s32 $0x1;
	s9 =	simm.s32 $0x1;
	s1 =	sshll.u32 s1, $0x6  }
0x4: {  	s10 =	simm.s32 $0x3;
	s4 =	sshll.u32 s0, $0x7;
	s5 =	sand.u32 $0x40, s1  }
0x5: {  	s13 =	simm.s32 $0x0;
	s12 =	simm.s32 $0x0;
	s4 =	sor.u32 s4, s5  }
0x6: {  	s1 =	rddreg [dreg:$0x2];
	_ =	strace $0x80000047;
	s8 =	ssub.s32 $0x1000, s4  }
.Ltmp0:
0x7: {  	s5 =	sadd.s32 $0xC00, s3;
	s7 =	sand.u32 $0x7C0, s8;
	(pc) =	sbr.rel .LBB2_1-.Ltmp0, $4  }
0x8: {  	[sflag:s6] =	ssyncpa.u1 $0x0;
	s11 =	smov.u32 s4;
	p0 =	sne.s32 s7, $0x0  }
0x9: {  	s8 =	sshrl.u32 s8, $0xB;
	s7 =	simm.s32 $0x2;
	s9 =	simm.s32 @!p0 $0x0  }
0xa: {  	[sflag:s7] =	ssyncpa.u1 $0x0;
	p0 =	por $0x0, $0x0;
	s8 =	sadd.s32 s9, s8  }
0xb: {  	vm0 =	vmmov $0xffff;
	[sflag:s10] =	ssyncpa.u1 $0x0;
	s10 =	simm.s32 $0x0;
	s9 =	sadd.s32 $0x1, s8  }
.LBB2_4:
0xc: {  	v1 =	vsel vm1, $0xFFFFFFFF, v1;
	v2 =	vand.u32 $0x7, v2  }
0xd: {  	v2 =	vsel vm1, $0xFFFFFFFF, v2;
	v3 =	vshll.u32 v1, $0x3  }
0xe: {  	v4 =	vand.u32 $0xFFFF8000, v2;
	v3 =	vand.u32 $0xFFFFFC00, v3;
	v2 =	vshll.u32 v2, $0x7  }
0xf: {  	v3 =	vadd.s32 v3, v4;
	v2 =	vand.u32 $0x380, v2  }
0x10: {  	v1 =	vand.u32 $0x7F, v1;
	v2 =	vor.u32 v2, v3  }
0x11: {  	v1 =	vor.u32 v1, v2;
	_ =	sdelay $0x1  }
0x12: {  	(ifvalue) =	ssetifvalue $0x7FFFFFFF;
	s15 =	sadd.s32 $0x10, s15  }
0x13: {  	[tilespmem:s15], [sflag:$0x1] =	stream.indirect_vreg.gather [hbm4b:s2+s10], $0x1, v0, vm0, $0x4038;
	[tilespmem:$0x100] =	vst v63  }
0x14: {  	(ifvalue) =	ssetifvalue $0x7FFFFFFF;
	s15 =	sadd.s32 $0x10, s15  }
0x15: {  	[tilespmem:s15], [sflag:$0x1] =	stream.indirect_vreg.gather [hbm4b:s2+s10], $0x1, v1, vm0, $0x4038;
	[tilespmem:$0x100] =	vst v63  }
0x16: {  	_ =	swait.ge [sflag:s6], $0x40  }
0x17: {  	s30 =	sshrl.u32 s13, $0x3;
	[sflag:s6] =	ssyncset.done $0x0  }
0x18: {  	s31 =	sand.u32 $0x7, s13;
	s15 =	sadd.s32 s3, s30;
	[sflag:s6] =	ssyncadd.s32 $0xFFFFFFC0  }
0x19: {  	[hbm4b:s15+s31] =	stream.linear.scatter [tilespmem:s14], [sflag:$0x3], $0x40, $0x38;
	[tilespmem:$0x100] =	vst v63  }
.LBB2_5:
0x1a: {  	s15 =	sadd.s32 $0x800, s11  }
0x1b: {  	p2 =	sgt.s32 s15, $0xFFF  }
0x1c: {  	s15 =	smov.u32 @p2 s4;
	p2 =	sne.s32 s12, s9  }
.Ltmp1:
0x1d: {  	p1 =	slt.u32 s12, $0x2;
	(pc) =	sbr.rel @!p2 .LBB2_6-.Ltmp1, $4  }
0x1e: {  	s14 =	simm.s32 @!p1 $0x3  }
0x1f: {  	s16 =	sadd.s32 $0x1, s12;
	_ =	swait.ge @!p1 [sflag:s14], $0x40  }
0x20: {  	s13 =	smov.u32 s11;
	p0 =	por !p0, !p0;
	[sflag:s14] =	ssyncset.done @!p1 $0x0  }
0x21: {  	s12 =	smov.u32 s16;
	s11 =	smov.u32 s15;
	[sflag:s14] =	ssyncadd.s32 @!p1 $0xFFFFFFC0  }
.LBB2_1:
0x22: {  	p1 =	sge.u32 s12, s8  }
0x23: {  	s14 =	sxor.u32 @!p1 $0xFFFFFFFF, s12  }
0x24: {  	s31 =	sadd.s32 $0xFFFFFFFF, s12;
	s15 =	sshrl.u32 @!p1 s11, $0x3;
	s14 =	sshll.u32 @!p1 s14, $0x6  }
0x25: {  	s16 =	sand.u32 @!p1 $0x7, s11;
	s15 =	sadd.s32 @!p1 s5, s15;
	s14 =	sand.u32 @!p1 $0x40, s14  }
0x26: {  	[tilespmem:s14], [sflag:$0x2] =	stream.linear.gather @!p1 [hbm4b:s15+s16], $0x40, $0x38;
	[tilespmem:$0x100] =	vst v63  }
0x27: {  	p1 =	sge.u32 s31, s8  }
.Ltmp2:
0x28: {  	_ = 	snop;
	(pc) =	sbr.rel @p1 .LBB2_5-.Ltmp2, $1  }
0x29: {  	_ =	sdelay $0x3  }
0x2a: {  	s14 =	simm.s32 $0x1  }
0x2b: {  	_ =	swait.ge [sflag:s7], $0x40;
	s14 =	simm.s32 @!p0 $0x0  }
0x2c: {  	[sflag:s7] =	ssyncset.done $0x0;
	s14 =	sshll.u32 s14, $0x6  }
0x2d: {  	[sflag:s7] =	ssyncadd.s32 $0xFFFFFFC0;
	(ifvalue) =	ssetifvalue $0x7FFFFFFF;
	v0 =	vld.msk [tilespmem:s14+$0x0 ss:$0x1], $0xffff;
	_ =	sdelay $0x3  }
0x2e: {  	s15 =	sadd.s32 $0x10, s14  }
0x2f: {  	v2 =	vld.msk [tilespmem:s15+$0x0 ss:$0x1], $0xffff;
	vm1 =	veq.s32 v0, $0x80000000;
	v1 =	vand.u32 $0xFFF, v0;
	v0 =	vshrl.u32 v0, $0xC  }
0x30: {  	v1 =	vsel vm1, $0xFFFFFFFF, v1;
	v0 =	vand.u32 $0x7, v0  }
0x31: {  	v0 =	vsel vm1, $0xFFFFFFFF, v0;
	v3 =	vshll.u32 v1, $0x3  }
0x32: {  	v4 =	vand.u32 $0xFFFF8000, v0;
	v3 =	vand.u32 $0xFFFFFC00, v3;
	v0 =	vshll.u32 v0, $0x7  }
0x33: {  	v3 =	vadd.s32 v3, v4;
	v0 =	vand.u32 $0x380, v0  }
0x34: {  	v1 =	vand.u32 $0x7F, v1;
	vm1 =	veq.s32 v2, $0x80000000;
	v0 =	vor.u32 v0, v3  }
0x35: {  	v0 =	vor.u32 v1, v0;
	v1 =	vand.u32 $0xFFF, v2;
	v2 =	vshrl.u32 v2, $0xC  }
0x36: {  	s17 =	sadd.s32 $0x10, s15;
	v1 =	vsel vm1, $0xFFFFFFFF, v1;
	v2 =	vand.u32 $0x7, v2  }
0x37: {  	v3 =	vld.msk [tilespmem:s17+$0x0 ss:$0x1], $0xffff;
	v2 =	vsel vm1, $0xFFFFFFFF, v2;
	v63 =	vshll.u32 v1, $0x3  }
0x38: {  	v5 =	vand.u32 $0xFFFF8000, v2;
	v4 =	vand.u32 $0xFFFFFC00, v63;
	v2 =	vshll.u32 v2, $0x7  }
0x39: {  	s31 =	sshll.u32 s12, $0x6;
	s15 =	sor.u32 $0x80, s14;
	(ifvalue) =	ssetifvalue $0x7FFFFFFF;
	v4 =	vadd.s32 v4, v5;
	v2 =	vand.u32 $0x380, v2  }
0x3a: {  	[tilespmem:s15], [sflag:$0x1] =	stream.indirect_vreg.gather [hbm4b:s2+s10], $0x1, v0, vm0, $0x4038;
	v0 =	vand.u32 $0x7F, v1;
	v1 =	vor.u32 v2, v4;
	[tilespmem:$0x100] =	vst v63  }
0x3b: {  	s14 =	sand.u32 $0x40, s31;
	v0 =	vor.u32 v0, v1  }
0x3c: {  	s16 =	simm.s32 $0x20;
	s14 =	sor.u32 $0x80, s14;
	s17 =	sadd.s32 $0x10, s17;
	vm1 =	veq.s32 v3, $0x80000000;
	v2 =	vshrl.u32 v3, $0xC;
	v1 =	vand.u32 $0xFFF, v3  }
.LBB2_3:
0x3d: {  	v3 =	vld.msk [tilespmem:s17+$0x0 ss:$0x1], $0xffff;
	s16 =	sadd.s32 $0x10, s16;
	v1 =	vsel vm1, $0xFFFFFFFF, v1;
	v2 =	vand.u32 $0x7, v2  }
0x3e: {  	p1 =	slt.u32 s16, $0x30;
	v2 =	vsel vm1, $0xFFFFFFFF, v2;
	v4 =	vshll.u32 v1, $0x3  }
.Ltmp3:
0x3f: {  	s15 =	sadd.s32 $0x10, s15;
	v5 =	vand.u32 $0xFFFF8000, v2;
	v4 =	vand.u32 $0xFFFFFC00, v4;
	v2 =	vshll.u32 v2, $0x7;
	(ifvalue) =	ssetifvalue $0x7FFFFFFF;
	(pc) =	sbr.rel @p1 .LBB2_3-.Ltmp3, $4  }
0x40: {  	v4 =	vadd.s32 v4, v5;
	v2 =	vand.u32 $0x380, v2;
	[tilespmem:s15], [sflag:$0x1] =	stream.indirect_vreg.gather [hbm4b:s2+s10], $0x1, v0, vm0, $0x4038;
	[tilespmem:$0x100] =	vst v63  }
0x41: {  	v0 =	vand.u32 $0x7F, v1;
	v1 =	vor.u32 v2, v4  }
0x42: {  	v0 =	vor.u32 v0, v1  }
0x43: {  	s17 =	sadd.s32 $0x10, s17;
	vm1 =	veq.s32 v3, $0x80000000;
	v1 =	vand.u32 $0xFFF, v3;
	v2 =	vshrl.u32 v3, $0xC  }
.Ltmp4:
0x44: {  	_ = 	snop;
	(pc) =	sbr.rel .LBB2_4-.Ltmp4, $1  }
0x45: {  	_ =	sdelay $0x3  }
.LBB2_6:
0x46: {  	_ =	sfence.sel $0x180000  }
0x47: {  	s2 =	simm.s32 $0x2;
	[bflag:$0x0] =	sbarrier.arrive $0xFFFF  }
0x48: {  	s30 =	simm.s32 $0x3;
	[sflag:s2] =	ssyncpa.u1 $0x1  }
0x49: {  	s31 =	simm.s32 $0x1;
	[sflag:s30] =	ssyncpa.u1 $0x1  }
0x4a: {  	[sflag:s31] =	ssyncpa.u1 $0x1  }
0x4b: {  	p0 =	sne.s32 s0, $0x0;
	_ =	strace $0x90000047  }
0x4c: {  	s0 =	sadd.s32 @!p0 $0x100000, s1;
	[bflag:$0x2] =	sbarrier.arrive $0xFFFF  }
0x4d: {  	[sflag:s0] =	ssyncadd.tile.s32 @!p0 $0x1;
	_ =	shalt  }
.Lfunc_end2:
_tile_overlayer_lowered:
.L_overlay_start_2:
0x4e: {  	(tag) =	ssettag $0x2  }
0x4f: {  	s0 =	rddreg [dreg:$0x0];
	s2 =	stileid.u32  }
0x50: {  	s1 =	rddreg [dreg:$0x1];
	p0 =	sne.s32 s2, $0x0  }
0x51: {  	s3 =	rddreg [dreg:$0x2];
	[bflag:$0x3] =	sbarrier.arrive $0xFFFF;
	s2 =	simm.s32 @!p0 $0x1C01  }
0x52: {  	[timem:s3], [sflag:s2] =	dma.local @!p0 [hbm:s0], s1  }
0x53: {  	s0 =	simm.s32 @!p0 $0x1  }
0x54: {  	_ =	swait.ge @!p0 [sflag:s0], s1  }
0x55: {  	s1 =	ssub.s32 @!p0 $0x0, s1;
	[sflag:s0] =	ssyncset.done @!p0 $0x0  }
0x56: {  	[sflag:s0] =	ssyncadd.s32 @!p0 s1  }
0x57: {  	[bflag:$0x3] =	sbarrier.arrive $0xFFFF  }
0x58: {  	_ =	shalt  }

</sc_bundles>
